<compile_context>
chip_gen: v7x
topology: tpu7x:2x2x1
jax: 0.10.2.dev20260603
libtpu: 0.0.44.dev20260713+nightly
codegen_flags: <defaults>
</compile_context>

<pallas_src>
import jax
import jax.numpy as jnp
from jax import lax
from jax.experimental import pallas as pl
from jax.experimental.pallas import tpu as pltpu
from jax.experimental.pallas import tpu_sc as plsc


DIM_ = 64
HID_ = 2000
LAB_ = 1000
B_ = 10
SEG_ = 250
ROWS8_ = 2560
HALF_ = SEG_ // 2
NWORK_ = 2 * B_
CHUNK_ = 136


def _pool_body(tab_hbm, out_hbm, rows_v, acc_v):
    nc = 2
    wid = lax.axis_index("s") * nc + lax.axis_index("c")

    @pl.when(wid < NWORK_)
    def _():
        base = lax.rem(wid, B_) * SEG_ + lax.div(wid, B_) * HALF_
        aligned = lax.div(base, 8) * 8
        off = base - aligned
        pltpu.sync_copy(tab_hbm.at[pl.ds(aligned, CHUNK_)], rows_v)
        zero = jnp.zeros((16,), jnp.float32)

        def body(r, carry):
            for u in range(5):
                carry = tuple(carry[c] + rows_v[off + r * 5 + u,
                                                pl.ds(c * 16, 16)]
                              for c in range(4))
            return carry

        acc = lax.fori_loop(0, HALF_ // 5, body, (zero, zero, zero, zero))
        for c in range(4):
            acc_v[0, pl.ds(c * 16, 16)] = acc[c]
        pltpu.sync_copy(acc_v, out_hbm.at[wid])


def _segment_sums(tab):
    pool = pl.kernel(
        _pool_body,
        out_type=jax.ShapeDtypeStruct((NWORK_, 1, DIM_), jnp.float32),
        mesh=plsc.VectorSubcoreMesh(core_axis_name="c", subcore_axis_name="s"),
        scratch_types=[
            pltpu.VMEM((CHUNK_, DIM_), jnp.float32),
            pltpu.VMEM((1, DIM_), jnp.float32),
        ],
    )
    return pool(tab)


def _mlp_body(part_ref, W1_ref, b1_ref, gamma_ref, beta_ref, W2_ref, b2_ref,
              out_ref):
    part = part_ref[...].reshape(NWORK_, DIM_)
    pooled = (part[:B_] + part[B_:]) * (1.0 / SEG_)
    h = jnp.dot(pooled, W1_ref[...],
                preferred_element_type=jnp.float32) + b1_ref[...]
    mu = jnp.mean(h, axis=0, keepdims=True)
    var = jnp.mean((h - mu) * (h - mu), axis=0, keepdims=True)
    hn = (h - mu) / jnp.sqrt(var + 1e-5) * gamma_ref[...] + beta_ref[...]
    hr = jnp.maximum(hn, 0.0)
    out_ref[...] = jnp.dot(hr, W2_ref[...],
                           preferred_element_type=jnp.float32) + b2_ref[...]


def kernel(content, table, W1, b1, gamma, beta, W2, b2):
    del content
    tab = lax.slice(table, (0, 0), (ROWS8_, DIM_))
    partials = _segment_sums(tab)
    return pl.pallas_call(
        _mlp_body,
        out_shape=jax.ShapeDtypeStruct((B_, LAB_), jnp.float32),
        grid=(1,),
        in_specs=[
            pl.BlockSpec((NWORK_, 1, DIM_), lambda i: (0, 0, 0)),
            pl.BlockSpec((DIM_, HID_), lambda i: (0, 0)),
            pl.BlockSpec((HID_,), lambda i: (0,)),
            pl.BlockSpec((HID_,), lambda i: (0,)),
            pl.BlockSpec((HID_,), lambda i: (0,)),
            pl.BlockSpec((HID_, LAB_), lambda i: (0, 0)),
            pl.BlockSpec((LAB_,), lambda i: (0,)),
        ],
        out_specs=pl.BlockSpec((B_, LAB_), lambda i: (0, 0)),
    )(partials, W1, b1, gamma, beta, W2, b2)

# --- scband reference (transcript-rebuilt; emitter-appended) ---
"""Pipeline reference for scband-fast-text-34711925686822 (READ-ONLY COPY).

The authoritative reference and input builder live on the scoring server;
editing this copy changes nothing except your own understanding.
"""

import jax, jax.numpy as jnp
import numpy as np

VOCAB = 1000000
DIM = 64
HID = 2000
LAB = 1000


def setup_inputs(seed: int = 0) -> dict:
    key = jax.random.key(seed)
    ks = jax.random.split(key, 8)
    content = jax.random.randint(ks[0], (10, 250), 0, VOCAB)
    table = jax.random.normal(ks[1], (VOCAB, DIM), dtype=jnp.float32) * 0.02
    W1 = jax.random.normal(ks[2], (DIM, HID), dtype=jnp.float32) * 0.02
    b1 = jnp.zeros((HID,), dtype=jnp.float32)
    gamma = jnp.ones((HID,), dtype=jnp.float32)
    beta = jnp.zeros((HID,), dtype=jnp.float32)
    W2 = jax.random.normal(ks[3], (HID, LAB), dtype=jnp.float32) * 0.02
    b2 = jnp.zeros((LAB,), dtype=jnp.float32)
    return {"content": content, "table": table, "W1": W1, "b1": b1,
            "gamma": gamma, "beta": beta, "W2": W2, "b2": b2}


def reference(content, table, W1, b1, gamma, beta, W2, b2):
    # Faithful to the original module: forward OVERWRITES its input with a
    # hardcoded arange(0, 2500).view(10, 250) index tensor.
    content = jnp.arange(2500, dtype=jnp.int64 if jax.config.jax_enable_x64 else jnp.int32).reshape(10, 250)
    # embedding gather
    emb = jnp.take(table, content, axis=0)          # [10, 250, DIM]
    content_ = jnp.mean(emb, axis=1)                # [10, DIM]
    # Linear -> BatchNorm1d (training mode, batch stats) -> ReLU -> Linear
    h = content_ @ W1 + b1                          # [10, HID]
    mu = jnp.mean(h, axis=0)
    var = jnp.var(h, axis=0)                        # biased variance, as torch BN uses for normalization
    hn = (h - mu) / jnp.sqrt(var + 1e-5) * gamma + beta
    hr = jnp.maximum(hn, 0.0)
    out = hr @ W2 + b2                              # [10, LAB]
    return out

if __name__ == "__main__":
    import jax
    _d = setup_inputs()
    print(jax.jit(kernel)(*tuple(_d.values())))

</pallas_src>

<mosaic_0001>
#map = affine_map<(d0, d1) -> (0, 0)>
#map1 = affine_map<(d0, d1) -> (0, 0, 0)>
module attributes {stable_mosaic.version = 14 : i64} {
  func.func @_pool_body(%arg0: i32, %arg1: i32, %arg2: memref<2560x64xf32, #tpu.memory_space<hbm>>, %arg3: memref<20x1x64xf32, #tpu.memory_space<hbm>>, %arg4: memref<136x64xf32, #tpu.memory_space<vmem>>, %arg5: memref<1x64xf32, #tpu.memory_space<vmem>>) attributes {dimension_semantics = [#tpu.dimension_semantics<core_parallel>, #tpu.dimension_semantics<subcore_parallel>], iteration_bounds = array<i64: 2, 16>, scalar_prefetch = 0 : i64, scratch_operands = 2 : i64, tpu.core_type = #tpu.core_type<sc_vector_subcore>, window_params = [{transform_indices = #map}, {transform_indices = #map1}]} {
    %mul3A = arith.constant 2 : i32
    %mul3A_0 = arith.muli %arg1, %mul3A : i32
    %add3A = arith.addi %mul3A_0, %arg0 : i32
    %lt3A = arith.constant 20 : i32
    %lt3A_1 = arith.cmpi slt, %add3A, %lt3A : i32
    %convert_element_type3A = arith.extui %lt3A_1 : i1 to i32
    %cond3A = arith.constant 0 : i32
    %cond3A_2 = arith.cmpi ne, %convert_element_type3A, %cond3A : i32
    scf.if %cond3A_2 {
      %rem3A = arith.constant 10 : i32
      %rem3A_3 = arith.remsi %add3A, %rem3A : i32
      %mul3A_4 = arith.constant 250 : i32
      %mul3A_5 = arith.muli %rem3A_3, %mul3A_4 : i32
      %div3A = arith.constant 10 : i32
      %div3A_6 = arith.divsi %add3A, %div3A : i32
      %mul3A_7 = arith.constant 125 : i32
      %mul3A_8 = arith.muli %div3A_6, %mul3A_7 : i32
      %add3A_9 = arith.addi %mul3A_5, %mul3A_8 : i32
      %div3A_10 = arith.constant 8 : i32
      %div3A_11 = arith.divsi %add3A_9, %div3A_10 : i32
      %mul3A_12 = arith.constant 8 : i32
      %mul3A_13 = arith.muli %div3A_11, %mul3A_12 : i32
      %sub3A = arith.subi %add3A_9, %mul3A_13 : i32
      "tpu.region"() ({
        %run_scoped3A = tpu.sem_alloc : memref<!tpu.dma_semaphore, #tpu.memory_space<semaphore_mem>>
        %dma_start3A = arith.constant 0 : i32
        %dma_start3A_43 = tpu.memref_slice %arg2[%mul3A_13, %dma_start3A] : memref<2560x64xf32, #tpu.memory_space<hbm>> -> memref<136x64xf32, #tpu.memory_space<hbm>>
        %dma_start3A_44 = arith.constant 0 : i32
        %dma_start3A_45 = tpu.memref_slice %arg2[%mul3A_13, %dma_start3A_44] : memref<2560x64xf32, #tpu.memory_space<hbm>> -> memref<136x64xf32, #tpu.memory_space<hbm>>
        tpu.enqueue_dma source(%dma_start3A_45 : memref<136x64xf32, #tpu.memory_space<hbm>>) target(%arg4 : memref<136x64xf32, #tpu.memory_space<vmem>>) target_semaphore(%run_scoped3A : memref<!tpu.dma_semaphore, #tpu.memory_space<semaphore_mem>>)
        %dma_wait3A = arith.constant 0 : i32
        %dma_wait3A_46 = tpu.memref_slice %arg2[%mul3A_13, %dma_wait3A] : memref<2560x64xf32, #tpu.memory_space<hbm>> -> memref<136x64xf32, #tpu.memory_space<hbm>>
        %dma_wait3A_47 = arith.constant 0 : i32
        %dma_wait3A_48 = tpu.memref_slice %arg2[%mul3A_13, %dma_wait3A_47] : memref<2560x64xf32, #tpu.memory_space<hbm>> -> memref<136x64xf32, #tpu.memory_space<hbm>>
        tpu.wait_dma2 semaphore(%run_scoped3A : memref<!tpu.dma_semaphore, #tpu.memory_space<semaphore_mem>>) src(%dma_wait3A_48 : memref<136x64xf32, #tpu.memory_space<hbm>>) dst(%arg4 : memref<136x64xf32, #tpu.memory_space<vmem>>)
        tpu.yield
      }) : () -> ()
      %broadcast_in_dim3A = arith.constant 0.000000e+00 : f32
      %broadcast_in_dim3A_14 = vector.broadcast %broadcast_in_dim3A : f32 to vector<16xf32>
      %scan3A = arith.constant 0 : i32
      %scan3A_15 = arith.constant 25 : i32
      %scan3A_16 = arith.addi %scan3A, %scan3A_15 : i32
      %scan3A_17 = arith.constant 1 : i32
      %scan3A_18:4 = scf.for %scan3A_43 = %scan3A to %scan3A_16 step %scan3A_17 iter_args(%scan3A_44 = %broadcast_in_dim3A_14, %scan3A_45 = %broadcast_in_dim3A_14, %scan3A_46 = %broadcast_in_dim3A_14, %scan3A_47 = %broadcast_in_dim3A_14) -> (vector<16xf32>, vector<16xf32>, vector<16xf32>, vector<16xf32>)  : i32 {
        %mul3A_48 = arith.constant 5 : i32
        %mul3A_49 = arith.muli %scan3A_43, %mul3A_48 : i32
        %add3A_50 = arith.addi %sub3A, %mul3A_49 : i32
        %add3A_51 = arith.constant 0 : i32
        %add3A_52 = arith.addi %add3A_50, %add3A_51 : i32
        %get3A = arith.index_cast %add3A_52 : i32 to index
        %get3A_53 = arith.constant 0 : index
        %get3A_54 = tpu.vector_load %arg4[%get3A, %get3A_53] {strides = array<i32>} : memref<136x64xf32, #tpu.memory_space<vmem>>, vector<1x16xf32>,
        %get3A_55 = vector.shape_cast %get3A_54 : vector<1x16xf32> to vector<16xf32>
        %add3A_56 = arith.addf %scan3A_44, %get3A_55 : vector<16xf32>
        %mul3A_57 = arith.constant 5 : i32
        %mul3A_58 = arith.muli %scan3A_43, %mul3A_57 : i32
        %add3A_59 = arith.addi %sub3A, %mul3A_58 : i32
        %add3A_60 = arith.constant 0 : i32
        %add3A_61 = arith.addi %add3A_59, %add3A_60 : i32
        %get3A_62 = arith.index_cast %add3A_61 : i32 to index
        %get3A_63 = arith.constant 16 : index
        %get3A_64 = tpu.vector_load %arg4[%get3A_62, %get3A_63] {strides = array<i32>} : memref<136x64xf32, #tpu.memory_space<vmem>>, vector<1x16xf32>,
        %get3A_65 = vector.shape_cast %get3A_64 : vector<1x16xf32> to vector<16xf32>
        %add3A_66 = arith.addf %scan3A_45, %get3A_65 : vector<16xf32>
        %mul3A_67 = arith.constant 5 : i32
        %mul3A_68 = arith.muli %scan3A_43, %mul3A_67 : i32
        %add3A_69 = arith.addi %sub3A, %mul3A_68 : i32
        %add3A_70 = arith.constant 0 : i32
        %add3A_71 = arith.addi %add3A_69, %add3A_70 : i32
        %get3A_72 = arith.index_cast %add3A_71 : i32 to index
        %get3A_73 = arith.constant 32 : index
        %get3A_74 = tpu.vector_load %arg4[%get3A_72, %get3A_73] {strides = array<i32>} : memref<136x64xf32, #tpu.memory_space<vmem>>, vector<1x16xf32>,
        %get3A_75 = vector.shape_cast %get3A_74 : vector<1x16xf32> to vector<16xf32>
        %add3A_76 = arith.addf %scan3A_46, %get3A_75 : vector<16xf32>
        %mul3A_77 = arith.constant 5 : i32
        %mul3A_78 = arith.muli %scan3A_43, %mul3A_77 : i32
        %add3A_79 = arith.addi %sub3A, %mul3A_78 : i32
        %add3A_80 = arith.constant 0 : i32
        %add3A_81 = arith.addi %add3A_79, %add3A_80 : i32
        %get3A_82 = arith.index_cast %add3A_81 : i32 to index
        %get3A_83 = arith.constant 48 : index
        %get3A_84 = tpu.vector_load %arg4[%get3A_82, %get3A_83] {strides = array<i32>} : memref<136x64xf32, #tpu.memory_space<vmem>>, vector<1x16xf32>,
        %get3A_85 = vector.shape_cast %get3A_84 : vector<1x16xf32> to vector<16xf32>
        %add3A_86 = arith.addf %scan3A_47, %get3A_85 : vector<16xf32>
        %mul3A_87 = arith.constant 5 : i32
        %mul3A_88 = arith.muli %scan3A_43, %mul3A_87 : i32
        %add3A_89 = arith.addi %sub3A, %mul3A_88 : i32
        %add3A_90 = arith.constant 1 : i32
        %add3A_91 = arith.addi %add3A_89, %add3A_90 : i32
        %get3A_92 = arith.index_cast %add3A_91 : i32 to index
        %get3A_93 = arith.constant 0 : index
        %get3A_94 = tpu.vector_load %arg4[%get3A_92, %get3A_93] {strides = array<i32>} : memref<136x64xf32, #tpu.memory_space<vmem>>, vector<1x16xf32>,
        %get3A_95 = vector.shape_cast %get3A_94 : vector<1x16xf32> to vector<16xf32>
        %add3A_96 = arith.addf %add3A_56, %get3A_95 : vector<16xf32>
        %mul3A_97 = arith.constant 5 : i32
        %mul3A_98 = arith.muli %scan3A_43, %mul3A_97 : i32
        %add3A_99 = arith.addi %sub3A, %mul3A_98 : i32
        %add3A_100 = arith.constant 1 : i32
        %add3A_101 = arith.addi %add3A_99, %add3A_100 : i32
        %get3A_102 = arith.index_cast %add3A_101 : i32 to index
        %get3A_103 = arith.constant 16 : index
        %get3A_104 = tpu.vector_load %arg4[%get3A_102, %get3A_103] {strides = array<i32>} : memref<136x64xf32, #tpu.memory_space<vmem>>, vector<1x16xf32>,
        %get3A_105 = vector.shape_cast %get3A_104 : vector<1x16xf32> to vector<16xf32>
        %add3A_106 = arith.addf %add3A_66, %get3A_105 : vector<16xf32>
        %mul3A_107 = arith.constant 5 : i32
        %mul3A_108 = arith.muli %scan3A_43, %mul3A_107 : i32
        %add3A_109 = arith.addi %sub3A, %mul3A_108 : i32
        %add3A_110 = arith.constant 1 : i32
        %add3A_111 = arith.addi %add3A_109, %add3A_110 : i32
        %get3A_112 = arith.index_cast %add3A_111 : i32 to index
        %get3A_113 = arith.constant 32 : index
        %get3A_114 = tpu.vector_load %arg4[%get3A_112, %get3A_113] {strides = array<i32>} : memref<136x64xf32, #tpu.memory_space<vmem>>, vector<1x16xf32>,
        %get3A_115 = vector.shape_cast %get3A_114 : vector<1x16xf32> to vector<16xf32>
        %add3A_116 = arith.addf %add3A_76, %get3A_115 : vector<16xf32>
        %mul3A_117 = arith.constant 5 : i32
        %mul3A_118 = arith.muli %scan3A_43, %mul3A_117 : i32
        %add3A_119 = arith.addi %sub3A, %mul3A_118 : i32
        %add3A_120 = arith.constant 1 : i32
        %add3A_121 = arith.addi %add3A_119, %add3A_120 : i32
        %get3A_122 = arith.index_cast %add3A_121 : i32 to index
        %get3A_123 = arith.constant 48 : index
        %get3A_124 = tpu.vector_load %arg4[%get3A_122, %get3A_123] {strides = array<i32>} : memref<136x64xf32, #tpu.memory_space<vmem>>, vector<1x16xf32>,
        %get3A_125 = vector.shape_cast %get3A_124 : vector<1x16xf32> to vector<16xf32>
        %add3A_126 = arith.addf %add3A_86, %get3A_125 : vector<16xf32>
        %mul3A_127 = arith.constant 5 : i32
        %mul3A_128 = arith.muli %scan3A_43, %mul3A_127 : i32
        %add3A_129 = arith.addi %sub3A, %mul3A_128 : i32
        %add3A_130 = arith.constant 2 : i32
        %add3A_131 = arith.addi %add3A_129, %add3A_130 : i32
        %get3A_132 = arith.index_cast %add3A_131 : i32 to index
        %get3A_133 = arith.constant 0 : index
        %get3A_134 = tpu.vector_load %arg4[%get3A_132, %get3A_133] {strides = array<i32>} : memref<136x64xf32, #tpu.memory_space<vmem>>, vector<1x16xf32>,
        %get3A_135 = vector.shape_cast %get3A_134 : vector<1x16xf32> to vector<16xf32>
        %add3A_136 = arith.addf %add3A_96, %get3A_135 : vector<16xf32>
        %mul3A_137 = arith.constant 5 : i32
        %mul3A_138 = arith.muli %scan3A_43, %mul3A_137 : i32
        %add3A_139 = arith.addi %sub3A, %mul3A_138 : i32
        %add3A_140 = arith.constant 2 : i32
        %add3A_141 = arith.addi %add3A_139, %add3A_140 : i32
        %get3A_142 = arith.index_cast %add3A_141 : i32 to index
        %get3A_143 = arith.constant 16 : index
        %get3A_144 = tpu.vector_load %arg4[%get3A_142, %get3A_143] {strides = array<i32>} : memref<136x64xf32, #tpu.memory_space<vmem>>, vector<1x16xf32>,
        %get3A_145 = vector.shape_cast %get3A_144 : vector<1x16xf32> to vector<16xf32>
        %add3A_146 = arith.addf %add3A_106, %get3A_145 : vector<16xf32>
        %mul3A_147 = arith.constant 5 : i32
        %mul3A_148 = arith.muli %scan3A_43, %mul3A_147 : i32
        %add3A_149 = arith.addi %sub3A, %mul3A_148 : i32
        %add3A_150 = arith.constant 2 : i32
        %add3A_151 = arith.addi %add3A_149, %add3A_150 : i32
        %get3A_152 = arith.index_cast %add3A_151 : i32 to index
        %get3A_153 = arith.constant 32 : index
        %get3A_154 = tpu.vector_load %arg4[%get3A_152, %get3A_153] {strides = array<i32>} : memref<136x64xf32, #tpu.memory_space<vmem>>, vector<1x16xf32>,
        %get3A_155 = vector.shape_cast %get3A_154 : vector<1x16xf32> to vector<16xf32>
        %add3A_156 = arith.addf %add3A_116, %get3A_155 : vector<16xf32>
        %mul3A_157 = arith.constant 5 : i32
        %mul3A_158 = arith.muli %scan3A_43, %mul3A_157 : i32
        %add3A_159 = arith.addi %sub3A, %mul3A_158 : i32
        %add3A_160 = arith.constant 2 : i32
        %add3A_161 = arith.addi %add3A_159, %add3A_160 : i32
        %get3A_162 = arith.index_cast %add3A_161 : i32 to index
        %get3A_163 = arith.constant 48 : index
        %get3A_164 = tpu.vector_load %arg4[%get3A_162, %get3A_163] {strides = array<i32>} : memref<136x64xf32, #tpu.memory_space<vmem>>, vector<1x16xf32>,
        %get3A_165 = vector.shape_cast %get3A_164 : vector<1x16xf32> to vector<16xf32>
        %add3A_166 = arith.addf %add3A_126, %get3A_165 : vector<16xf32>
        %mul3A_167 = arith.constant 5 : i32
        %mul3A_168 = arith.muli %scan3A_43, %mul3A_167 : i32
        %add3A_169 = arith.addi %sub3A, %mul3A_168 : i32
        %add3A_170 = arith.constant 3 : i32
        %add3A_171 = arith.addi %add3A_169, %add3A_170 : i32
        %get3A_172 = arith.index_cast %add3A_171 : i32 to index
        %get3A_173 = arith.constant 0 : index
        %get3A_174 = tpu.vector_load %arg4[%get3A_172, %get3A_173] {strides = array<i32>} : memref<136x64xf32, #tpu.memory_space<vmem>>, vector<1x16xf32>,
        %get3A_175 = vector.shape_cast %get3A_174 : vector<1x16xf32> to vector<16xf32>
        %add3A_176 = arith.addf %add3A_136, %get3A_175 : vector<16xf32>
        %mul3A_177 = arith.constant 5 : i32
        %mul3A_178 = arith.muli %scan3A_43, %mul3A_177 : i32
        %add3A_179 = arith.addi %sub3A, %mul3A_178 : i32
        %add3A_180 = arith.constant 3 : i32
        %add3A_181 = arith.addi %add3A_179, %add3A_180 : i32
        %get3A_182 = arith.index_cast %add3A_181 : i32 to index
        %get3A_183 = arith.constant 16 : index
        %get3A_184 = tpu.vector_load %arg4[%get3A_182, %get3A_183] {strides = array<i32>} : memref<136x64xf32, #tpu.memory_space<vmem>>, vector<1x16xf32>,
        %get3A_185 = vector.shape_cast %get3A_184 : vector<1x16xf32> to vector<16xf32>
        %add3A_186 = arith.addf %add3A_146, %get3A_185 : vector<16xf32>
        %mul3A_187 = arith.constant 5 : i32
        %mul3A_188 = arith.muli %scan3A_43, %mul3A_187 : i32
        %add3A_189 = arith.addi %sub3A, %mul3A_188 : i32
        %add3A_190 = arith.constant 3 : i32
        %add3A_191 = arith.addi %add3A_189, %add3A_190 : i32
        %get3A_192 = arith.index_cast %add3A_191 : i32 to index
        %get3A_193 = arith.constant 32 : index
        %get3A_194 = tpu.vector_load %arg4[%get3A_192, %get3A_193] {strides = array<i32>} : memref<136x64xf32, #tpu.memory_space<vmem>>, vector<1x16xf32>,
        %get3A_195 = vector.shape_cast %get3A_194 : vector<1x16xf32> to vector<16xf32>
        %add3A_196 = arith.addf %add3A_156, %get3A_195 : vector<16xf32>
        %mul3A_197 = arith.constant 5 : i32
        %mul3A_198 = arith.muli %scan3A_43, %mul3A_197 : i32
        %add3A_199 = arith.addi %sub3A, %mul3A_198 : i32
        %add3A_200 = arith.constant 3 : i32
        %add3A_201 = arith.addi %add3A_199, %add3A_200 : i32
        %get3A_202 = arith.index_cast %add3A_201 : i32 to index
        %get3A_203 = arith.constant 48 : index
        %get3A_204 = tpu.vector_load %arg4[%get3A_202, %get3A_203] {strides = array<i32>} : memref<136x64xf32, #tpu.memory_space<vmem>>, vector<1x16xf32>,
        %get3A_205 = vector.shape_cast %get3A_204 : vector<1x16xf32> to vector<16xf32>
        %add3A_206 = arith.addf %add3A_166, %get3A_205 : vector<16xf32>
        %mul3A_207 = arith.constant 5 : i32
        %mul3A_208 = arith.muli %scan3A_43, %mul3A_207 : i32
        %add3A_209 = arith.addi %sub3A, %mul3A_208 : i32
        %add3A_210 = arith.constant 4 : i32
        %add3A_211 = arith.addi %add3A_209, %add3A_210 : i32
        %get3A_212 = arith.index_cast %add3A_211 : i32 to index
        %get3A_213 = arith.constant 0 : index
        %get3A_214 = tpu.vector_load %arg4[%get3A_212, %get3A_213] {strides = array<i32>} : memref<136x64xf32, #tpu.memory_space<vmem>>, vector<1x16xf32>,
        %get3A_215 = vector.shape_cast %get3A_214 : vector<1x16xf32> to vector<16xf32>
        %add3A_216 = arith.addf %add3A_176, %get3A_215 : vector<16xf32>
        %mul3A_217 = arith.constant 5 : i32
        %mul3A_218 = arith.muli %scan3A_43, %mul3A_217 : i32
        %add3A_219 = arith.addi %sub3A, %mul3A_218 : i32
        %add3A_220 = arith.constant 4 : i32
        %add3A_221 = arith.addi %add3A_219, %add3A_220 : i32
        %get3A_222 = arith.index_cast %add3A_221 : i32 to index
        %get3A_223 = arith.constant 16 : index
        %get3A_224 = tpu.vector_load %arg4[%get3A_222, %get3A_223] {strides = array<i32>} : memref<136x64xf32, #tpu.memory_space<vmem>>, vector<1x16xf32>,
        %get3A_225 = vector.shape_cast %get3A_224 : vector<1x16xf32> to vector<16xf32>
        %add3A_226 = arith.addf %add3A_186, %get3A_225 : vector<16xf32>
        %mul3A_227 = arith.constant 5 : i32
        %mul3A_228 = arith.muli %scan3A_43, %mul3A_227 : i32
        %add3A_229 = arith.addi %sub3A, %mul3A_228 : i32
        %add3A_230 = arith.constant 4 : i32
        %add3A_231 = arith.addi %add3A_229, %add3A_230 : i32
        %get3A_232 = arith.index_cast %add3A_231 : i32 to index
        %get3A_233 = arith.constant 32 : index
        %get3A_234 = tpu.vector_load %arg4[%get3A_232, %get3A_233] {strides = array<i32>} : memref<136x64xf32, #tpu.memory_space<vmem>>, vector<1x16xf32>,
        %get3A_235 = vector.shape_cast %get3A_234 : vector<1x16xf32> to vector<16xf32>
        %add3A_236 = arith.addf %add3A_196, %get3A_235 : vector<16xf32>
        %mul3A_237 = arith.constant 5 : i32
        %mul3A_238 = arith.muli %scan3A_43, %mul3A_237 : i32
        %add3A_239 = arith.addi %sub3A, %mul3A_238 : i32
        %add3A_240 = arith.constant 4 : i32
        %add3A_241 = arith.addi %add3A_239, %add3A_240 : i32
        %get3A_242 = arith.index_cast %add3A_241 : i32 to index
        %get3A_243 = arith.constant 48 : index
        %get3A_244 = tpu.vector_load %arg4[%get3A_242, %get3A_243] {strides = array<i32>} : memref<136x64xf32, #tpu.memory_space<vmem>>, vector<1x16xf32>,
        %get3A_245 = vector.shape_cast %get3A_244 : vector<1x16xf32> to vector<16xf32>
        %add3A_246 = arith.addf %add3A_206, %get3A_245 : vector<16xf32>
        scf.yield %add3A_216, %add3A_226, %add3A_236, %add3A_246 : vector<16xf32>, vector<16xf32>, vector<16xf32>, vector<16xf32>
      }
      %scan3A_19 = arith.constant 25 : i32
      %swap3A = arith.constant 0 : i32
      %swap3A_20 = arith.index_cast %swap3A : i32 to index
      %swap3A_21 = arith.constant 0 : index
      %swap3A_22 = tpu.vector_load %arg5[%swap3A_20, %swap3A_21] {strides = array<i32>} : memref<1x64xf32, #tpu.memory_space<vmem>>, vector<1x16xf32>,
      %swap3A_23 = vector.shape_cast %swap3A_22 : vector<1x16xf32> to vector<16xf32>
      %swap3A_24 = vector.shape_cast %scan3A_18#0 : vector<16xf32> to vector<1x16xf32>
      tpu.vector_store %arg5[%swap3A_20, %swap3A_21], %swap3A_24 {strides = array<i32>} : memref<1x64xf32, #tpu.memory_space<vmem>>, vector<1x16xf32>,
      %swap3A_25 = arith.constant 0 : i32
      %swap3A_26 = arith.index_cast %swap3A_25 : i32 to index
      %swap3A_27 = arith.constant 16 : index
      %swap3A_28 = tpu.vector_load %arg5[%swap3A_26, %swap3A_27] {strides = array<i32>} : memref<1x64xf32, #tpu.memory_space<vmem>>, vector<1x16xf32>,
      %swap3A_29 = vector.shape_cast %swap3A_28 : vector<1x16xf32> to vector<16xf32>
      %swap3A_30 = vector.shape_cast %scan3A_18#1 : vector<16xf32> to vector<1x16xf32>
      tpu.vector_store %arg5[%swap3A_26, %swap3A_27], %swap3A_30 {strides = array<i32>} : memref<1x64xf32, #tpu.memory_space<vmem>>, vector<1x16xf32>,
      %swap3A_31 = arith.constant 0 : i32
      %swap3A_32 = arith.index_cast %swap3A_31 : i32 to index
      %swap3A_33 = arith.constant 32 : index
      %swap3A_34 = tpu.vector_load %arg5[%swap3A_32, %swap3A_33] {strides = array<i32>} : memref<1x64xf32, #tpu.memory_space<vmem>>, vector<1x16xf32>,
      %swap3A_35 = vector.shape_cast %swap3A_34 : vector<1x16xf32> to vector<16xf32>
      %swap3A_36 = vector.shape_cast %scan3A_18#2 : vector<16xf32> to vector<1x16xf32>
      tpu.vector_store %arg5[%swap3A_32, %swap3A_33], %swap3A_36 {strides = array<i32>} : memref<1x64xf32, #tpu.memory_space<vmem>>, vector<1x16xf32>,
      %swap3A_37 = arith.constant 0 : i32
      %swap3A_38 = arith.index_cast %swap3A_37 : i32 to index
      %swap3A_39 = arith.constant 48 : index
      %swap3A_40 = tpu.vector_load %arg5[%swap3A_38, %swap3A_39] {strides = array<i32>} : memref<1x64xf32, #tpu.memory_space<vmem>>, vector<1x16xf32>,
      %swap3A_41 = vector.shape_cast %swap3A_40 : vector<1x16xf32> to vector<16xf32>
      %swap3A_42 = vector.shape_cast %scan3A_18#3 : vector<16xf32> to vector<1x16xf32>
      tpu.vector_store %arg5[%swap3A_38, %swap3A_39], %swap3A_42 {strides = array<i32>} : memref<1x64xf32, #tpu.memory_space<vmem>>, vector<1x16xf32>,
      "tpu.region"() ({
        %run_scoped3A = tpu.sem_alloc : memref<!tpu.dma_semaphore, #tpu.memory_space<semaphore_mem>>
        %dma_start3A = arith.constant 0 : i32
        %dma_start3A_43 = arith.constant 0 : i32
        %dma_start3A_44 = tpu.memref_slice %arg3[%add3A, %dma_start3A, %dma_start3A_43] : memref<20x1x64xf32, #tpu.memory_space<hbm>> -> memref<1x1x64xf32, #tpu.memory_space<hbm>>
        %dma_start3A_45 = tpu.memref_squeeze %dma_start3A_44 : memref<1x1x64xf32, #tpu.memory_space<hbm>> -> memref<1x64xf32, #tpu.memory_space<hbm>>
        %dma_start3A_46 = arith.constant 0 : i32
        %dma_start3A_47 = arith.constant 0 : i32
        %dma_start3A_48 = tpu.memref_slice %arg3[%add3A, %dma_start3A_46, %dma_start3A_47] : memref<20x1x64xf32, #tpu.memory_space<hbm>> -> memref<1x1x64xf32, #tpu.memory_space<hbm>>
        %dma_start3A_49 = tpu.memref_squeeze %dma_start3A_48 : memref<1x1x64xf32, #tpu.memory_space<hbm>> -> memref<1x64xf32, #tpu.memory_space<hbm>>
        tpu.enqueue_dma source(%arg5 : memref<1x64xf32, #tpu.memory_space<vmem>>) target(%dma_start3A_49 : memref<1x64xf32, #tpu.memory_space<hbm>>) target_semaphore(%run_scoped3A : memref<!tpu.dma_semaphore, #tpu.memory_space<semaphore_mem>>)
        %dma_wait3A = arith.constant 0 : i32
        %dma_wait3A_50 = arith.constant 0 : i32
        %dma_wait3A_51 = tpu.memref_slice %arg3[%add3A, %dma_wait3A, %dma_wait3A_50] : memref<20x1x64xf32, #tpu.memory_space<hbm>> -> memref<1x1x64xf32, #tpu.memory_space<hbm>>
        %dma_wait3A_52 = tpu.memref_squeeze %dma_wait3A_51 : memref<1x1x64xf32, #tpu.memory_space<hbm>> -> memref<1x64xf32, #tpu.memory_space<hbm>>
        %dma_wait3A_53 = arith.constant 0 : i32
        %dma_wait3A_54 = arith.constant 0 : i32
        %dma_wait3A_55 = tpu.memref_slice %arg3[%add3A, %dma_wait3A_53, %dma_wait3A_54] : memref<20x1x64xf32, #tpu.memory_space<hbm>> -> memref<1x1x64xf32, #tpu.memory_space<hbm>>
        %dma_wait3A_56 = tpu.memref_squeeze %dma_wait3A_55 : memref<1x1x64xf32, #tpu.memory_space<hbm>> -> memref<1x64xf32, #tpu.memory_space<hbm>>
        tpu.wait_dma2 semaphore(%run_scoped3A : memref<!tpu.dma_semaphore, #tpu.memory_space<semaphore_mem>>) src(%arg5 : memref<1x64xf32, #tpu.memory_space<vmem>>) dst(%dma_wait3A_56 : memref<1x64xf32, #tpu.memory_space<hbm>>)
        tpu.yield
      }) : () -> ()
    } else {
    }
    return
  }
}

module attributes {stable_mosaic.version = 14 : i64} {
  func.func @_mlp_body(%arg0: i32, %arg1: memref<20x1x64xf32, #tpu.memory_space<vmem>>, %arg2: memref<64x2000xf32, #tpu.memory_space<vmem>>, %arg3: memref<2000xf32, #tpu.memory_space<vmem>>, %arg4: memref<2000xf32, #tpu.memory_space<vmem>>, %arg5: memref<2000xf32, #tpu.memory_space<vmem>>, %arg6: memref<2000x1000xf32, #tpu.memory_space<vmem>>, %arg7: memref<1000xf32, #tpu.memory_space<vmem>>, %arg8: memref<10x1000xf32, #tpu.memory_space<vmem>>) attributes {dimension_semantics = [#tpu.dimension_semantics<arbitrary>], iteration_bounds = array<i64: 1>, scalar_prefetch = 0 : i64, scratch_operands = 0 : i64, tpu.core_type = #tpu.core_type<tc>, window_params = [{pipeline_mode = #tpu.pipeline_mode<synchronous>, transform_indices = @transform_0, window_bounds = array<i64: 20, 1, 64>}, {pipeline_mode = #tpu.pipeline_mode<synchronous>, transform_indices = @transform_1, window_bounds = array<i64: 64, 2000>}, {pipeline_mode = #tpu.pipeline_mode<synchronous>, transform_indices = @transform_2, window_bounds = array<i64: 2000>}, {pipeline_mode = #tpu.pipeline_mode<synchronous>, transform_indices = @transform_3, window_bounds = array<i64: 2000>}, {pipeline_mode = #tpu.pipeline_mode<synchronous>, transform_indices = @transform_4, window_bounds = array<i64: 2000>}, {pipeline_mode = #tpu.pipeline_mode<synchronous>, transform_indices = @transform_5, window_bounds = array<i64: 2000, 1000>}, {pipeline_mode = #tpu.pipeline_mode<synchronous>, transform_indices = @transform_6, window_bounds = array<i64: 1000>}, {pipeline_mode = #tpu.pipeline_mode<synchronous>, transform_indices = @transform_7, window_bounds = array<i64: 10, 1000>}]} {
    %get3A = arith.constant 0 : index
    %get3A_0 = arith.constant 0 : index
    %get3A_1 = arith.constant 0 : index
    %get3A_2 = vector.load %arg1[%get3A, %get3A_0, %get3A_1] : memref<20x1x64xf32, #tpu.memory_space<vmem>>, vector<20x1x64xf32>
    %reshape3A = vector.shape_cast %get3A_2 : vector<20x1x64xf32> to vector<20x64xf32>
    %slice3A = vector.extract_strided_slice %reshape3A {offsets = [0, 0], sizes = [10, 64], strides = [1, 1]} : vector<20x64xf32> to vector<10x64xf32>
    %slice3A_3 = vector.extract_strided_slice %reshape3A {offsets = [10, 0], sizes = [10, 64], strides = [1, 1]} : vector<20x64xf32> to vector<10x64xf32>
    %add3A = arith.addf %slice3A, %slice3A_3 : vector<10x64xf32>
    %mul3A = arith.constant 4.000000e-03 : f32
    %mul3A_4 = vector.broadcast %mul3A : f32 to vector<10x64xf32>
    %mul3A_5 = arith.mulf %add3A, %mul3A_4 : vector<10x64xf32>
    %get3A_6 = arith.constant 0 : index
    %get3A_7 = arith.constant 0 : index
    %get3A_8 = vector.load %arg2[%get3A_6, %get3A_7] : memref<64x2000xf32, #tpu.memory_space<vmem>>, vector<64x2000xf32>
    %dot_general3A = arith.constant dense<0.000000e+00> : vector<10x2000xf32>
    %dot_general3A_9 = tpu.matmul %mul3A_5, %get3A_8, %dot_general3A {dimension_numbers = #tpu.dot_dimension_numbers<[1], [0], [0], [1], [0, 0, 1, 1], [], []>, transpose_lhs_hint = false} : vector<10x64xf32>, vector<64x2000xf32>, vector<10x2000xf32> -> vector<10x2000xf32>
    %get3A_10 = arith.constant 0 : index
    %get3A_11 = vector.load %arg3[%get3A_10] : memref<2000xf32, #tpu.memory_space<vmem>>, vector<2000xf32>
    %broadcast_in_dim3A = vector.shape_cast %get3A_11 : vector<2000xf32> to vector<1x2000xf32>
    %add3A_12 = vector.broadcast %broadcast_in_dim3A : vector<1x2000xf32> to vector<10x2000xf32>
    %add3A_13 = arith.addf %dot_general3A_9, %add3A_12 : vector<10x2000xf32>
    %reduce_sum3A = arith.constant dense<0.000000e+00> : vector<2000xf32>
    %reduce_sum3A_14 = vector.multi_reduction <add>, %add3A_13, %reduce_sum3A [0] : vector<10x2000xf32> to vector<2000xf32>
    %broadcast_in_dim3A_15 = vector.shape_cast %reduce_sum3A_14 : vector<2000xf32> to vector<1x2000xf32>
    %div3A = arith.constant 1.000000e+01 : f32
    %div3A_16 = vector.broadcast %div3A : f32 to vector<1x2000xf32>
    %div3A_17 = arith.divf %broadcast_in_dim3A_15, %div3A_16 : vector<1x2000xf32>
    %sub3A = vector.broadcast %div3A_17 : vector<1x2000xf32> to vector<10x2000xf32>
    %sub3A_18 = arith.subf %add3A_13, %sub3A : vector<10x2000xf32>
    %sub3A_19 = vector.broadcast %div3A_17 : vector<1x2000xf32> to vector<10x2000xf32>
    %sub3A_20 = arith.subf %add3A_13, %sub3A_19 : vector<10x2000xf32>
    %mul3A_21 = arith.mulf %sub3A_18, %sub3A_20 : vector<10x2000xf32>
    %reduce_sum3A_22 = arith.constant dense<0.000000e+00> : vector<2000xf32>
    %reduce_sum3A_23 = vector.multi_reduction <add>, %mul3A_21, %reduce_sum3A_22 [0] : vector<10x2000xf32> to vector<2000xf32>
    %broadcast_in_dim3A_24 = vector.shape_cast %reduce_sum3A_23 : vector<2000xf32> to vector<1x2000xf32>
    %div3A_25 = arith.constant 1.000000e+01 : f32
    %div3A_26 = vector.broadcast %div3A_25 : f32 to vector<1x2000xf32>
    %div3A_27 = arith.divf %broadcast_in_dim3A_24, %div3A_26 : vector<1x2000xf32>
    %sub3A_28 = vector.broadcast %div3A_17 : vector<1x2000xf32> to vector<10x2000xf32>
    %sub3A_29 = arith.subf %add3A_13, %sub3A_28 : vector<10x2000xf32>
    %add3A_30 = arith.constant 9.99999974E-6 : f32
    %add3A_31 = vector.broadcast %add3A_30 : f32 to vector<1x2000xf32>
    %add3A_32 = arith.addf %div3A_27, %add3A_31 : vector<1x2000xf32>
    %sqrt3A = math.sqrt %add3A_32 : vector<1x2000xf32>
    %div3A_33 = vector.broadcast %sqrt3A : vector<1x2000xf32> to vector<10x2000xf32>
    %div3A_34 = arith.divf %sub3A_29, %div3A_33 : vector<10x2000xf32>
    %get3A_35 = arith.constant 0 : index
    %get3A_36 = vector.load %arg4[%get3A_35] : memref<2000xf32, #tpu.memory_space<vmem>>, vector<2000xf32>
    %broadcast_in_dim3A_37 = vector.shape_cast %get3A_36 : vector<2000xf32> to vector<1x2000xf32>
    %mul3A_38 = vector.broadcast %broadcast_in_dim3A_37 : vector<1x2000xf32> to vector<10x2000xf32>
    %mul3A_39 = arith.mulf %div3A_34, %mul3A_38 : vector<10x2000xf32>
    %get3A_40 = arith.constant 0 : index
    %get3A_41 = vector.load %arg5[%get3A_40] : memref<2000xf32, #tpu.memory_space<vmem>>, vector<2000xf32>
    %broadcast_in_dim3A_42 = vector.shape_cast %get3A_41 : vector<2000xf32> to vector<1x2000xf32>
    %add3A_43 = vector.broadcast %broadcast_in_dim3A_42 : vector<1x2000xf32> to vector<10x2000xf32>
    %add3A_44 = arith.addf %mul3A_39, %add3A_43 : vector<10x2000xf32>
    %max3A = arith.constant 0.000000e+00 : f32
    %max3A_45 = vector.broadcast %max3A : f32 to vector<10x2000xf32>
    %max3A_46 = arith.maximumf %add3A_44, %max3A_45 : vector<10x2000xf32>
    %get3A_47 = arith.constant 0 : index
    %get3A_48 = arith.constant 0 : index
    %get3A_49 = vector.load %arg6[%get3A_47, %get3A_48] : memref<2000x1000xf32, #tpu.memory_space<vmem>>, vector<2000x1000xf32>
    %dot_general3A_50 = arith.constant dense<0.000000e+00> : vector<10x1000xf32>
    %dot_general3A_51 = tpu.matmul %max3A_46, %get3A_49, %dot_general3A_50 {dimension_numbers = #tpu.dot_dimension_numbers<[1], [0], [0], [1], [0, 0, 1, 1], [], []>, transpose_lhs_hint = false} : vector<10x2000xf32>, vector<2000x1000xf32>, vector<10x1000xf32> -> vector<10x1000xf32>
    %get3A_52 = arith.constant 0 : index
    %get3A_53 = vector.load %arg7[%get3A_52] : memref<1000xf32, #tpu.memory_space<vmem>>, vector<1000xf32>
    %broadcast_in_dim3A_54 = vector.shape_cast %get3A_53 : vector<1000xf32> to vector<1x1000xf32>
    %add3A_55 = vector.broadcast %broadcast_in_dim3A_54 : vector<1x1000xf32> to vector<10x1000xf32>
    %add3A_56 = arith.addf %dot_general3A_51, %add3A_55 : vector<10x1000xf32>
    %swap3A = arith.constant 0 : index
    %swap3A_57 = arith.constant 0 : index
    %swap3A_58 = vector.load %arg8[%swap3A, %swap3A_57] : memref<10x1000xf32, #tpu.memory_space<vmem>>, vector<10x1000xf32>
    tpu.vector_store %arg8[%swap3A, %swap3A_57], %add3A_56 {strides = array<i32>} : memref<10x1000xf32, #tpu.memory_space<vmem>>, vector<10x1000xf32>,
    return
  }
  func.func @transform_0(%arg0: i32) -> (i32, i32, i32) {
    %c0_i32 = arith.constant 0 : i32
    %c0_i32_0 = arith.constant 0 : i32
    %c0_i32_1 = arith.constant 0 : i32
    %c0_i32_2 = arith.constant 0 : i32
    return %c0_i32, %c0_i32_0, %c0_i32_1 : i32, i32, i32
  }
  func.func @transform_1(%arg0: i32) -> (i32, i32) {
    %c0_i32 = arith.constant 0 : i32
    %c0_i32_0 = arith.constant 0 : i32
    %c0_i32_1 = arith.constant 0 : i32
    return %c0_i32, %c0_i32_0 : i32, i32
  }
  func.func @transform_2(%arg0: i32) -> i32 {
    %c0_i32 = arith.constant 0 : i32
    %c0_i32_0 = arith.constant 0 : i32
    return %c0_i32 : i32
  }
  func.func @transform_3(%arg0: i32) -> i32 {
    %c0_i32 = arith.constant 0 : i32
    %c0_i32_0 = arith.constant 0 : i32
    return %c0_i32 : i32
  }
  func.func @transform_4(%arg0: i32) -> i32 {
    %c0_i32 = arith.constant 0 : i32
    %c0_i32_0 = arith.constant 0 : i32
    return %c0_i32 : i32
  }
  func.func @transform_5(%arg0: i32) -> (i32, i32) {
    %c0_i32 = arith.constant 0 : i32
    %c0_i32_0 = arith.constant 0 : i32
    %c0_i32_1 = arith.constant 0 : i32
    return %c0_i32, %c0_i32_0 : i32, i32
  }
  func.func @transform_6(%arg0: i32) -> i32 {
    %c0_i32 = arith.constant 0 : i32
    %c0_i32_0 = arith.constant 0 : i32
    return %c0_i32 : i32
  }
  func.func @transform_7(%arg0: i32) -> (i32, i32) {
    %c0_i32 = arith.constant 0 : i32
    %c0_i32_0 = arith.constant 0 : i32
    %c0_i32_1 = arith.constant 0 : i32
    return %c0_i32, %c0_i32_0 : i32, i32
  }
}

</mosaic_0001>

<sc_bundles>
// kernel: kernel.4.cloned.1.call-start
scs
__scs_entry_jumppad:
0x0: {  	(pc) =	sbr.rel $0x88, $3  }
0x1: {  	(tag) =	ssettag $0x0;
	lr =	simm.s32 $0x1  }
0x2: {  	[smem:$0x3F9A] =	sst lr;
	_ =	strace $0xD0000000  }
0x3: {  	_ = 	snop  }
0x4: {  	_ = 	snop  }
0x5: {  	_ = 	snop  }
0x6: {  	_ = 	snop  }
0x7: {  	_ = 	snop  }
__scs_overlays_trampoline_lowered:
0x8: {  	[smem:$0x3FA9] =	sst s0  }
0x9: {  	[smem:$0x3FAA] =	sst s1  }
0xa: {  	[smem:$0x3FAB] =	sst s2  }
0xb: {  	[smem:$0x3FAC] =	sst s3  }
0xc: {  	[smem:$0x3FAD] =	sst s4  }
0xd: {  	[smem:$0x3FAE] =	sst s5  }
0xe: {  	[smem:$0x3FAF] =	sst s6  }
0xf: {  	[smem:$0x3FB0] =	sst s7  }
0x10: {  	[smem:$0x3FB1] =	sst s8  }
0x11: {  	[smem:$0x3FB2] =	sst s9;
	s0 =	simm.s32 @!p0 $0x0  }
0x12: {  	s1 =	sld [smem:$0x3F98];
	s0 =	simm.s32 @p0 $0x1  }
0x13: {  	[smem:$0x3FB3] =	sst s0;
	s0 =	simm.s32 @!p1 $0x0  }
0x14: {  	s2 =	sld [smem:$0x3F97];
	s0 =	simm.s32 @p1 $0x1  }
0x15: {  	[smem:$0x3FB4] =	sst s0;
	s0 =	simm.s32 @!p2 $0x0  }
0x16: {  	s3 =	sld [smem:$0x3FDB];
	s0 =	simm.s32 @p2 $0x1  }
0x17: {  	s4 =	simm.s32 $0x1BF5;
	[smem:$0x3FB6] =	sst s0  }
0x18: {  	s0 =	sld [smem:$0x3F99];
	_ =	swait.ge [sflag:s4], $0x0  }
0x19: {  	s7 =	sld [smem:$0x3F9A]  }
0x1a: {  	s8 =	sadd.s32 $0xFFFFE003, lr  }
0x1b: {  	s9 =	sadd.s32 $0xFFFFFEF7, lr;
	s5 =	simm.s32 $0xFFFFFFFF;
	p2 =	slt.u32 s8, $0xFFFFF086  }
0x1c: {  	p1 =	slt.u32 s9, $0xF7A;
	s5 =	simm.s32 @!p2 $0x0  }
0x1d: {  	s5 =	simm.s32 @p1 $0x1;
	p0 =	seq.s32 s7, s2  }
0x1e: {  	s7 =	smul.u32 @!p0 $0xF7A, s2;
	p2 =	seq.s32 @!p0 s5, $0x0  }
0x1f: {  	s9 =	smul.u32 $0xF7A, s1;
	s8 =	simm.s32 @!p0 $0x1BF5;
	p2 =	por !p2, p0  }
0x20: {  	[sflag:s8] =	ssyncset.s32 @!p0 $0xFFFFF086;
	s6 =	sadd.s32 @!p0 s3, s7;
	s7 =	simm.s32 @!p0 $0x108  }
0x21: {  	s3 =	sadd.s32 s3, s9;
	s6 =	sadd.s32 @!p0 $0x88, s6;
	s7 =	simm.s32 @p2 $0x1082  }
0x22: {  	[simem:s7], [sflag:s8] =	dma.local @!p0 [hbm:s6], $0xF7A  }
0x23: {  	s9 =	sor.u32 $0xD0000000, s2;
	s6 =	simm.s32 $0x108;
	_ =	swait.ge @!p0 [sflag:s8], $0x0  }
0x24: {  	s3 =	sadd.s32 $0x88, s3;
	s6 =	simm.s32 @!p1 $0x1082;
	[sflag:s4] =	ssyncset.s32 $0xFFFFF086  }
0x25: {  	[simem:s6], [sflag:s4] =	dma.local [hbm:s3], $0xF7A  }
0x26: {  	[smem:$0x3F9A] =	sst s1;
	(tag) =	ssettag s2;
	_ =	strace s9  }
0x27: {  	s1 =	sld [smem:$0x3FAA]  }
0x28: {  	s2 =	sld [smem:$0x3FAB]  }
0x29: {  	s4 =	sld [smem:$0x3FAD]  }
0x2a: {  	p0 =	seq.s32 s5, $0x0;
	s5 =	sld [smem:$0x3FAE]  }
0x2b: {  	s6 =	sld [smem:$0x3FAF]  }
0x2c: {  	s7 =	sld [smem:$0x3FB0]  }
0x2d: {  	s3 =	simm.s32 $0x108;
	s8 =	sld [smem:$0x3FB1]  }
0x2e: {  	s3 =	simm.s32 @!p0 $0x1082;
	s9 =	sld [smem:$0x3FB2]  }
0x2f: {  	lr =	sadd.s32 s0, s3;
	s0 =	sld [smem:$0x3FA9]  }
0x30: {  	s3 =	sld [smem:$0x3FAC]  }
0x31: {  	[smem:$0x3FB5] =	sst s10  }
0x32: {  	s10 =	sld [smem:$0x3FB3];
	_ =	sdelay $0x3  }
0x33: {  	p0 =	seq.s32 s10, $0x1;
	s10 =	sld [smem:$0x3FB5];
	_ =	sdelay $0x3  }
0x34: {  	[smem:$0x3FB5] =	sst s10  }
0x35: {  	s10 =	sld [smem:$0x3FB4];
	_ =	sdelay $0x3  }
0x36: {  	p1 =	seq.s32 s10, $0x1;
	s10 =	sld [smem:$0x3FB5];
	_ =	sdelay $0x3  }
0x37: {  	[smem:$0x3FB5] =	sst s10  }
0x38: {  	s10 =	sld [smem:$0x3FB6]  }
0x39: {  	_ = 	snop;
	(pc) =	sbr.ind lr, $3  }
0x3a: {  	_ = 	snop  }
0x3b: {  	_ = 	snop  }
0x3c: {  	p2 =	seq.s32 s10, $0x1;
	s10 =	sld [smem:$0x3FB5]  }
0x3d: {  	_ =	shalt  }
0x3e: {  	_ =	shalt  }
0x3f: {  	_ =	shalt  }
0x40: {  	_ =	shalt  }
0x41: {  	_ =	shalt  }
0x42: {  	_ =	shalt  }
0x43: {  	_ =	shalt  }
0x44: {  	_ =	shalt  }
0x45: {  	_ =	shalt  }
0x46: {  	_ =	shalt  }
0x47: {  	_ =	shalt  }
0x48: {  	_ =	shalt  }
0x49: {  	_ =	shalt  }
0x4a: {  	_ =	shalt  }
0x4b: {  	_ =	shalt  }
0x4c: {  	_ =	shalt  }
0x4d: {  	_ =	shalt  }
0x4e: {  	_ =	shalt  }
0x4f: {  	_ =	shalt  }
0x50: {  	_ =	shalt  }
0x51: {  	_ =	shalt  }
0x52: {  	_ =	shalt  }
0x53: {  	_ =	shalt  }
0x54: {  	_ =	shalt  }
0x55: {  	_ =	shalt  }
0x56: {  	_ =	shalt  }
0x57: {  	_ =	shalt  }
0x58: {  	_ =	shalt  }
0x59: {  	_ =	shalt  }
0x5a: {  	_ =	shalt  }
0x5b: {  	_ =	shalt  }
0x5c: {  	_ =	shalt  }
0x5d: {  	_ =	shalt  }
0x5e: {  	_ =	shalt  }
0x5f: {  	_ =	shalt  }
0x60: {  	_ =	shalt  }
0x61: {  	_ =	shalt  }
0x62: {  	_ =	shalt  }
0x63: {  	_ =	shalt  }
0x64: {  	_ =	shalt  }
0x65: {  	_ =	shalt  }
0x66: {  	_ =	shalt  }
0x67: {  	_ =	shalt  }
0x68: {  	_ =	shalt  }
0x69: {  	_ =	shalt  }
0x6a: {  	_ =	shalt  }
0x6b: {  	_ =	shalt  }
0x6c: {  	_ =	shalt  }
0x6d: {  	_ =	shalt  }
0x6e: {  	_ =	shalt  }
0x6f: {  	_ =	shalt  }
0x70: {  	_ =	shalt  }
0x71: {  	_ =	shalt  }
0x72: {  	_ =	shalt  }
0x73: {  	_ =	shalt  }
0x74: {  	_ =	shalt  }
0x75: {  	_ =	shalt  }
0x76: {  	_ =	shalt  }
0x77: {  	_ =	shalt  }
0x78: {  	_ =	shalt  }
0x79: {  	_ =	shalt  }
0x7a: {  	_ =	shalt  }
0x7b: {  	_ =	shalt  }
0x7c: {  	_ =	shalt  }
0x7d: {  	_ =	shalt  }
0x7e: {  	_ =	shalt  }
0x7f: {  	_ =	shalt  }
0x80: {  	_ =	shalt  }
0x81: {  	_ =	shalt  }
0x82: {  	_ =	shalt  }
0x83: {  	_ =	shalt  }
0x84: {  	_ =	shalt  }
0x85: {  	_ =	shalt  }
0x86: {  	_ =	shalt  }
0x87: {  	_ =	shalt  }
.Lfunc_end0:
.L_simem_size_0:
called_computation_lowered:
.L_overlay_start_0:
0x88: {  	s2 =	sld [smem:$0x3FD9]  }
0x89: {  	s3 =	sld [smem:$0x3FFE];
	_ =	sdelay $0x1  }
0x8a: {  	s1 =	srdreg.scid  }
0x8b: {  	s0 =	sand.u32 $0x1, s1  }
0x8c: {  	s17 =	sshll.u32 s0, $0xA;
	s2 =	sadd.s32 s3, s2  }
0x8d: {  	s2 =	sadd.s32 s2, s17  }
0x8e: {  	[smem:$0x3FC1] =	sst s2  }
0x8f: {  	_ = 	snop  }
0x90: {  	s2 =	sld [smem:$0x3FD0];
	(tm) =	ssettm $0x1  }
0x91: {  	s18 =	sld [smem:$0x3FFB];
	_ =	sdelay $0x3  }
0x92: {  	_ =	strace s18  }
0x93: {  	s3 =	sld [smem:$0x3FFC];
	_ =	sdelay $0x3  }
0x94: {  	_ =	strace s3  }
0x95: {  	s3 =	sld [smem:$0x3FFD];
	_ =	sdelay $0x3  }
0x96: {  	_ =	strace s3  }
0x97: {  	_ =	strace $0x8FFFFFFF  }
0x98: {  	s19 =	sld [smem:$0x3FDB];
	_ =	sdelay $0x1  }
0x99: {  	s4 =	simm.s32 $_scs_section_size  }
0x9a: {  	s5 =	simm.s32 $_size__tile_overlayer_lowered;
	s6 =	simm.s32 $_tile_overlayer_lowered  }
0x9b: {  	s22 =	simm.s32 $0x1BFF;
	s21 =	sshll.u32 s6, $0x1;
	s3 =	sadd.s32 s4, s19  }
0x9c: {  	s7 =	simm.s32 $0x0;
	s20 =	sshll.u32 s5, $0x1;
	s5 =	sadd.s32 s21, s3  }
0x9d: {  	[timem:s7], [sflag:s22] =	dma.local [hbm:s5], s20  }
0x9e: {  	_ =	swait.ge [sflag:s22], s20  }
0x9f: {  	s4 =	ssub.s32 $0x0, s20;
	[sflag:s22] =	ssyncset.done $0x0  }
0xa0: {  	[sflag:s22] =	ssyncadd.s32 s4;
	_ =	sdelay $0x1  }
0xa1: {  	s23 =	simm.s32 $0x1B8B  }
0xa2: {  	_ =	swait.ge [sflag:s23], $0x1  }
0xa3: {  	[sflag:s23] =	ssyncset.done $0x0  }
0xa4: {  	s25 =	simm.s32 $0x1B8E;
	s24 =	sld [smem:$0x3FFE];
	[sflag:s23] =	ssyncadd.s32 $0xFFFFFFFF  }
0xa5: {  	s26 =	simm.s32 $execute0_lowered;
	[smem:$0x3FD2] =	sst s25  }
0xa6: {  	s5 =	sshll.u32 s26, $0x1;
	_ =	strace $0x80000046;
	[dreg:$0x1] =	wrdreg $0xFFFFFFFF  }
0xa7: {  	s28 =	simm.s32 $_size_execute0_lowered;
	s3 =	sadd.s32 s3, s5;
	[dreg:$0x0] =	wrdreg $0x0  }
0xa8: {  	s5 =	sshll.u32 s28, $0x1;
	[dreg:$0x2] =	wrdreg s3  }
0xa9: {  	[dreg:$0x3] =	wrdreg s5  }
0xaa: {  	[dreg:$0x4] =	wrdreg $0xC0  }
0xab: {  	_ =	task [dreg:s7], $0x5FFFF  }
0xac: {  	[dreg:$0x1] =	wrdreg $0xFFFFFFFF  }
0xad: {  	[dreg:$0x0] =	wrdreg $0x60  }
0xae: {  	[dreg:$0x2] =	wrdreg s24  }
0xaf: {  	[dreg:$0x3] =	wrdreg s2  }
0xb0: {  	[dreg:$0x4] =	wrdreg $0x9  }
0xb1: {  	_ =	task.clear_ibuf [dreg:s7], $0x5FFFF;
	_ =	strace $0x90000046  }
0xb2: {  	s29 =	simm.s32 $0x9;
	_ =	strace $0x80000048  }
0xb3: {  	_ =	swait.ge [sflag:s29], $0x1  }
0xb4: {  	[sflag:s29] =	ssyncadd.s32 $0xFFFFFFFF  }
0xb5: {  	_ =	strace $0x90000048  }
0xb6: {  	_ =	sfence  }
0xb7: {  	s30 =	sld [smem:$0x0];
	_ =	sdelay $0x2  }
0xb8: {  	s31 =	sshll.u32 s1, $0xD;
	s1 =	sshrl.u32 s1, $0x2  }
0xb9: {  	s3 =	sand.u32 $0x4000, s31;
	s1 =	sadd.s32 s1, s30  }
0xba: {  	s0 =	sor.u32 s3, s0;
	s1 =	sshll.u32 s1, $0x11  }
0xbb: {  	s0 =	sor.u32 s1, s0  }
0xbc: {  	s0 =	sadd.s32 $0x8F2B, s0  }
0xbd: {  	[sflag:s0] =	ssyncadd.remote.s32 $0x1  }
0xbe: {  	_ =	sfence.sel $0xFFFF  }
0xbf: {  	[dreg:$0x0] =	wrdreg $0xFFFFFFFF;
	(pc) =	sbr.abs _section_cstart, $3  }
0xc0: {  	[dreg:$0x1] =	wrdreg $0xFFFFFFFF  }
0xc1: {  	_ =	task.clear_ibuf [dreg:s7], $0x2FFFF;
	_ =	strace $0x9FFFFFFF  }
0xc2: {  	(tm) =	ssettm $0x7FFFFFFF  }
0xc3: {  	_ =	shalt  }
tec
execute0_lowered:
.L_overlay_start_1:
0x0: {  	(tag) =	ssettag $0x1  }
0x1: {  	s1 =	stileid.u32  }
0x2: {  	p0 =	sgt.u32 s1, $0x9  }
.Ltmp0:
0x3: {  	_ = 	snop;
	(pc) =	sbr.rel @p0 .LBB2_5-.Ltmp0, $4  }
0x4: {  	s4 =	rddreg [dreg:$0x0]  }
0x5: {  	s3 =	rddreg [dreg:$0x1];
	s2 =	simm.s32 $0x0  }
0x6: {  	[smem:$0x7FF] =	sst s2  }
0x7: {  	s0 =	rddreg [dreg:$0x2];
	_ =	strace $0x80000047  }
0x8: {  	s5 =	srdreg.scid  }
0x9: {  	s6 =	sshll.u32 s1, $0x1;
	s5 =	sand.u32 $0x1, s5  }
0xa: {  	s6 =	sor.u32 s5, s6  }
0xb: {  	s7 =	smul.u32 $0x1A, s6;
	_ =	sdelay $0x1  }
0xc: {  	s8 =	sshrl.u32 s7, $0x8;
	s7 =	sshrl.u32 s7, $0x7  }
0xd: {  	p0 =	sgt.u32 s1, $0x4;
	s7 =	sand.u32 $0x2, s7  }
0xe: {  	s9 =	simm.s32 $0x7D;
	s8 =	smul.u32 $0xA, s8;
	s7 =	ssub.s32 s6, s7  }
0xf: {  	s9 =	simm.s32 @!p0 $0x0;
	s7 =	sshll.u32 s7, $0x1  }
0x10: {  	s8 =	ssub.s32 s6, s8;
	s6 =	sshll.u32 s6, $0x4;
	s28 =	sadd.s32 s9, s7  }
0x11: {  	s3 =	sadd.s32 s3, s6;
	s6 =	sand.u32 $0x7, s28  }
0x12: {  	s8 =	sand.u32 $0xFF, s8;
	s6 =	sshll.u32 s6, $0x7  }
0x13: {  	s8 =	smul.u32 $0xFA, s8;
	s31 =	sadd.s32 $0x120, s6  }
0x14: {  	s5 =	ssub.s32 $0x2, s5;
	v0 =	vmov s31  }
0x15: {  	s29 =	sshrl.u32 s5, $0x1;
	s8 =	sadd.s32 s9, s8  }
0x16: {  	s4 =	sadd.s32 $0x1200, s4;
	s5 =	ssub.s32 s5, s29;
	s8 =	sshll.u32 s8, $0x4  }
0x17: {  	s5 =	smax.u32 s5, $0x1;
	s7 =	simm.s32 $0x4400;
	s30 =	sand.u32 $0x1FF80, s8  }
0x18: {  	s6 =	simm.s32 $0x1;
	s8 =	simm.s32 $0x0;
	s4 =	sadd.s32 s4, s30  }
.LBB2_2:
0x19: {  	s9 =	simm.s32 $0x0  }
0x1a: {  	[tilespmem:s9], [sflag:$0x1] =	stream.linear.gather [hbm4b:s4+s9], $0x4400, $0x38;
	[tilespmem:$0x4480] =	vst v63  }
0x1b: {  	_ =	swait.ge [sflag:s6], $0x4400  }
0x1c: {  	[sflag:s6] =	ssyncset.done $0x0  }
0x1d: {  	s9 =	simm.s32 $0x0;
	[sflag:s6] =	ssyncadd.s32 $0xFFFFBC00  }
0x1e: {  	v3 =	vld.idx.msk [tilespmem:v0+s9+$0xE0 ss:$0x1], $0xffff  }
0x1f: {  	v4 =	vld.idx.msk [tilespmem:v0+s9+$0xF0 ss:$0x1], $0xffff  }
0x20: {  	v1 =	vld.idx.msk [tilespmem:v0+s9+$0x60 ss:$0x1], $0xffff  }
0x21: {  	v2 =	vld.idx.msk [tilespmem:v0+s9+$0x70 ss:$0x1], $0xffff  }
0x22: {  	v5 =	vld.idx.msk [tilespmem:v0+s9+$0xFFFFFFE0 ss:$0x1], $0xffff  }
0x23: {  	v6 =	vld.idx.msk [tilespmem:v0+s9+$0xFFFFFFF0 ss:$0x1], $0xffff  }
0x24: {  	v7 =	vld.idx.msk [tilespmem:v0+s9+$0xFFFFFF60 ss:$0x1], $0xffff  }
0x25: {  	v8 =	vld.idx.msk [tilespmem:v0+s9+$0xFFFFFF70 ss:$0x1], $0xffff  }
0x26: {  	v14 =	vld.idx.msk [tilespmem:v0+s9+$0xFFFFFEE0 ss:$0x1], $0xffff  }
0x27: {  	v10 =	vimm.f32 $0.0e+00;
	v15 =	vld.idx.msk [tilespmem:v0+s9+$0xFFFFFEF0 ss:$0x1], $0xffff  }
0x28: {  	s10 =	simm.s32 $0xA00;
	v12 =	vimm.f32 $0.0e+00;
	v11 =	vimm.f32 $0.0e+00;
	v9 =	vimm.f32 $0.0e+00;
	v13 =	vld.idx.msk [tilespmem:v0+s9+$0xFFFFFF00 ss:$0x1], $0xffff  }
.LBB2_3:
0x29: {  	p0 =	sne.s32 s10, $0xF000;
	v16 =	vld.idx.msk [tilespmem:v0+s9+$0xFFFFFF10 ss:$0x1], $0xffff  }
0x2a: {  	v17 =	vld.idx.msk [tilespmem:v0+s9+$0xFFFFFF80 ss:$0x1], $0xffff  }
0x2b: {  	v18 =	vld.idx.msk [tilespmem:v0+s9+$0xFFFFFF90 ss:$0x1], $0xffff  }
0x2c: {  	v19 =	vld.idx.msk [tilespmem:v0+s9+$0x0 ss:$0x1], $0xffff  }
0x2d: {  	v20 =	vld.idx.msk [tilespmem:v0+s9+$0x10 ss:$0x1], $0xffff  }
0x2e: {  	v10 =	vadd.f32 v14, v10;
	v12 =	vadd.f32 v15, v12;
	v14 =	vld.idx.msk [tilespmem:v0+s9+$0x80 ss:$0x1], $0xffff  }
0x2f: {  	v11 =	vadd.f32 v13, v11;
	v9 =	vadd.f32 v16, v9;
	v13 =	vld.idx.msk [tilespmem:v0+s9+$0x90 ss:$0x1], $0xffff  }
0x30: {  	v7 =	vadd.f32 v7, v10;
	v8 =	vadd.f32 v8, v12;
	v15 =	vld.idx.msk [tilespmem:v0+s9+$0x100 ss:$0x1], $0xffff  }
0x31: {  	v10 =	vadd.f32 v17, v11;
	v9 =	vadd.f32 v18, v9;
	v16 =	vld.idx.msk [tilespmem:v0+s9+$0x110 ss:$0x1], $0xffff;
	s9 =	sshra.s32 s10, $0x2  }
0x32: {  	v5 =	vadd.f32 v5, v7;
	v6 =	vadd.f32 v6, v8;
	v17 =	vld.idx.msk [tilespmem:v0+s9+$0xE0 ss:$0x1], $0xffff  }
0x33: {  	v7 =	vadd.f32 v19, v10;
	v8 =	vadd.f32 v20, v9;
	v18 =	vld.idx.msk [tilespmem:v0+s9+$0xF0 ss:$0x1], $0xffff  }
0x34: {  	v9 =	vadd.f32 v1, v5;
	v6 =	vadd.f32 v2, v6;
	v1 =	vld.idx.msk [tilespmem:v0+s9+$0x60 ss:$0x1], $0xffff  }
0x35: {  	v7 =	vadd.f32 v14, v7;
	v8 =	vadd.f32 v13, v8;
	v2 =	vld.idx.msk [tilespmem:v0+s9+$0x70 ss:$0x1], $0xffff  }
0x36: {  	v10 =	vadd.f32 v3, v9;
	v12 =	vadd.f32 v4, v6;
	v5 =	vld.idx.msk [tilespmem:v0+s9+$0xFFFFFFE0 ss:$0x1], $0xffff  }
0x37: {  	v11 =	vadd.f32 v15, v7;
	v9 =	vadd.f32 v16, v8;
	v6 =	vld.idx.msk [tilespmem:v0+s9+$0xFFFFFFF0 ss:$0x1], $0xffff  }
.Ltmp1:
0x38: {  	v3 =	vmov v17;
	v7 =	vld.idx.msk [tilespmem:v0+s9+$0xFFFFFF60 ss:$0x1], $0xffff;
	(pc) =	sbr.rel @p0 .LBB2_3-.Ltmp1, $4  }
0x39: {  	v4 =	vmov v18;
	v8 =	vld.idx.msk [tilespmem:v0+s9+$0xFFFFFF70 ss:$0x1], $0xffff  }
0x3a: {  	v14 =	vld.idx.msk [tilespmem:v0+s9+$0xFFFFFEE0 ss:$0x1], $0xffff  }
0x3b: {  	v15 =	vld.idx.msk [tilespmem:v0+s9+$0xFFFFFEF0 ss:$0x1], $0xffff  }
0x3c: {  	s10 =	sadd.s32 $0xA00, s10;
	v13 =	vld.idx.msk [tilespmem:v0+s9+$0xFFFFFF00 ss:$0x1], $0xffff  }
0x3d: {  	_ =	sdelay $0x3  }
0x3e: {  	v16 =	vld.idx.msk [tilespmem:v0+s9+$0xFFFFFF10 ss:$0x1], $0xffff  }
0x3f: {  	v17 =	vld.idx.msk [tilespmem:v0+s9+$0xFFFFFF80 ss:$0x1], $0xffff  }
0x40: {  	v18 =	vld.idx.msk [tilespmem:v0+s9+$0xFFFFFF90 ss:$0x1], $0xffff;
	v10 =	vadd.f32 v14, v10  }
0x41: {  	v55 =	vld.idx.msk [tilespmem:v0+s9+$0x0 ss:$0x1], $0xffff;
	v12 =	vadd.f32 v15, v12  }
0x42: {  	v56 =	vld.idx.msk [tilespmem:v0+s9+$0x10 ss:$0x1], $0xffff;
	v11 =	vadd.f32 v13, v11;
	v7 =	vadd.f32 v7, v10  }
0x43: {  	v57 =	vld.idx.msk [tilespmem:v0+s9+$0x80 ss:$0x1], $0xffff;
	v9 =	vadd.f32 v16, v9;
	v8 =	vadd.f32 v8, v12  }
0x44: {  	v58 =	vld.idx.msk [tilespmem:v0+s9+$0x90 ss:$0x1], $0xffff;
	v11 =	vadd.f32 v17, v11;
	v5 =	vadd.f32 v5, v7  }
0x45: {  	v59 =	vld.idx.msk [tilespmem:v0+s9+$0x100 ss:$0x1], $0xffff;
	v9 =	vadd.f32 v18, v9;
	v6 =	vadd.f32 v6, v8  }
0x46: {  	v60 =	vld.idx.msk [tilespmem:v0+s9+$0x110 ss:$0x1], $0xffff;
	v11 =	vadd.f32 v55, v11;
	v1 =	vadd.f32 v1, v5  }
0x47: {  	v61 =	vadd.f32 v56, v9;
	v2 =	vadd.f32 v2, v6  }
0x48: {  	v62 =	vadd.f32 v57, v11;
	v1 =	vadd.f32 v3, v1  }
0x49: {  	v3 =	vadd.f32 v58, v61;
	v2 =	vadd.f32 v4, v2  }
0x4a: {  	v63 =	vadd.f32 v59, v62;
	[tilespmem:$0x4400] =	vst v1  }
0x4b: {  	s8 =	sadd.s32 $0x1, s8;
	v1 =	vadd.f32 v60, v3;
	[tilespmem:$0x4410] =	vst v2  }
0x4c: {  	p0 =	sne.s32 s8, s5;
	[tilespmem:$0x4420] =	vst v63  }
.Ltmp2:
0x4d: {  	[tilespmem:$0x4430] =	vst v1;
	(pc) =	sbr.rel @p0 .LBB2_2-.Ltmp2, $4  }
0x4e: {  	[hbm4b:s3+s2] =	stream.linear.scatter [tilespmem:s7], [sflag:$0x1], $0x80, $0x38;
	[tilespmem:$0x4480] =	vst v63  }
0x4f: {  	_ =	swait.ge [sflag:s6], $0x80  }
0x50: {  	[sflag:s6] =	ssyncset.done $0x0  }
0x51: {  	[sflag:s6] =	ssyncadd.s32 $0xFFFFFF80  }
.LBB2_5:
0x52: {  	_ =	sfence.sel $0x180000  }
0x53: {  	[bflag:$0x0] =	sbarrier.arrive $0xFFFF  }
0x54: {  	p0 =	sne.s32 s1, $0x0;
	_ =	strace $0x90000047  }
0x55: {  	s0 =	sadd.s32 @!p0 $0x100000, s0;
	[bflag:$0x2] =	sbarrier.arrive $0xFFFF  }
0x56: {  	[sflag:s0] =	ssyncadd.tile.s32 @!p0 $0x1;
	_ =	shalt  }
.Lfunc_end2:
_tile_overlayer_lowered:
.L_overlay_start_2:
0x57: {  	(tag) =	ssettag $0x2  }
0x58: {  	s0 =	rddreg [dreg:$0x0];
	s2 =	stileid.u32  }
0x59: {  	s1 =	rddreg [dreg:$0x1];
	p0 =	sne.s32 s2, $0x0  }
0x5a: {  	s3 =	rddreg [dreg:$0x2];
	[bflag:$0x3] =	sbarrier.arrive $0xFFFF;
	s2 =	simm.s32 @!p0 $0x1C01  }
0x5b: {  	[timem:s3], [sflag:s2] =	dma.local @!p0 [hbm:s0], s1  }
0x5c: {  	s0 =	simm.s32 @!p0 $0x1  }
0x5d: {  	_ =	swait.ge @!p0 [sflag:s0], s1  }
0x5e: {  	s1 =	ssub.s32 @!p0 $0x0, s1;
	[sflag:s0] =	ssyncset.done @!p0 $0x0  }
0x5f: {  	[sflag:s0] =	ssyncadd.s32 @!p0 s1  }
0x60: {  	[bflag:$0x3] =	sbarrier.arrive $0xFFFF  }
0x61: {  	_ =	shalt  }

</sc_bundles>
